<compile_context>
chip_gen: v7x
topology: tpu7x:2x2x1
jax: 0.10.2.dev20260603
libtpu: 0.0.44.dev20260713+nightly
codegen_flags: <defaults>
</compile_context>

<pallas_src>
import functools

import jax
import jax.numpy as jnp
from jax import lax
from jax.experimental import pallas as pl
from jax.experimental.pallas import tpu as pltpu
from jax.experimental.pallas import tpu_sc as plsc

_VOCAB = 1_000_000
_D = 32
_B = 4096
_L = 200

_NC = 2
_NS = 16
_NW = _NC * _NS
_ROWS_PW = _B // _NW
_TOK_PW = _ROWS_PW * _L
_C0 = 128
_C1 = _L - _C0



def _pool_body(textf_hbm, table_hbm, out_hbm, idx_v, gat_v, out_v, sem_a, sem_b):
    wid = lax.axis_index("s") * _NC + lax.axis_index("c")
    base = wid * _ROWS_PW

    pltpu.sync_copy(textf_hbm.at[pl.ds(base * _L, _TOK_PW)], idx_v)
    zero = jnp.zeros((16,), jnp.float32)

    def fire(r, buf, sem):
        off = r * _L
        pltpu.async_copy(table_hbm.at[idx_v.at[pl.ds(off, _C0)]],
                         gat_v.at[buf, pl.ds(0, _C0), :], sem)
        pltpu.async_copy(table_hbm.at[idx_v.at[pl.ds(off + _C0, _C1)]],
                         gat_v.at[buf, pl.ds(_C0, _C1), :], sem)

    def drain(buf, sem):
        pltpu.make_async_copy(table_hbm.at[idx_v.at[pl.ds(0, _C0)]],
                              gat_v.at[buf, pl.ds(0, _C0), :], sem).wait()
        pltpu.make_async_copy(table_hbm.at[idx_v.at[pl.ds(0, _C1)]],
                              gat_v.at[buf, pl.ds(_C0, _C1), :], sem).wait()

    def reduce_row(r, buf):
        def tok(l, accs):
            a0, a1 = accs
            return (a0 + gat_v[buf, l, pl.ds(0, 16)],
                    a1 + gat_v[buf, l, pl.ds(16, 16)])

        a0, a1 = lax.fori_loop(0, _L, tok, (zero, zero))
        out_v[pl.ds(r * _D, 16)] = a0
        out_v[pl.ds(r * _D + 16, 16)] = a1

    fire(0, 0, sem_a)

    def pair(t, carry):
        r0 = 2 * t
        fire(r0 + 1, 1, sem_b)
        drain(0, sem_a)
        reduce_row(r0, 0)

        @pl.when(r0 + 2 < _ROWS_PW)
        def _():
            fire(r0 + 2, 0, sem_a)

        drain(1, sem_b)
        reduce_row(r0 + 1, 1)
        return carry

    lax.fori_loop(0, _ROWS_PW // 2, pair, 0)
    pltpu.sync_copy(out_v, out_hbm.at[pl.ds(base * _D, _ROWS_PW * _D)])


def _pool(text_flat, table):
    mesh = plsc.VectorSubcoreMesh(core_axis_name="c", subcore_axis_name="s")
    kern = functools.partial(
        pl.kernel,
        mesh=mesh,
        compiler_params=pltpu.CompilerParams(use_tc_tiling_on_sc=False),
        out_type=jax.ShapeDtypeStruct((_B * _D,), jnp.float32),
        scratch_types=[
            pltpu.VMEM((_TOK_PW,), jnp.int32),
            pltpu.VMEM((2, _L, _D), jnp.float32),
            pltpu.VMEM((_ROWS_PW * _D,), jnp.float32),
            pltpu.SemaphoreType.DMA,
            pltpu.SemaphoreType.DMA,
        ],
    )(_pool_body)
    return kern(text_flat, table)



_HR = _B * _D // 128


def _head_body(x_ref, w4_ref, b_ref, out_ref):
    y = jax.lax.dot_general(
        x_ref[...], w4_ref[...],
        dimension_numbers=(((1,), (0,)), ((), ())),
        preferred_element_type=jnp.float32,
    ) + b_ref[0]
    out_ref[...] = 1.0 / (1.0 + jnp.exp(-y))


def _head(pooled2d, fc_w, fc_b):
    w4 = jnp.kron(jnp.eye(4, dtype=jnp.float32),
                  fc_w.reshape(_D, 1) * (1.0 / _L))
    return pl.pallas_call(
        _head_body,
        in_specs=[
            pl.BlockSpec((_HR, 128), lambda: (0, 0)),
            pl.BlockSpec((128, 4), lambda: (0, 0)),
            pl.BlockSpec(memory_space=pltpu.SMEM),
        ],
        out_specs=pl.BlockSpec((_HR, 4), lambda: (0, 0)),
        out_shape=jax.ShapeDtypeStruct((_HR, 4), jnp.float32),
    )(pooled2d, w4, fc_b)


def kernel(text, table, fc_w, fc_b):
    text_flat = text.astype(jnp.int32).reshape(-1)
    pooled = _pool(text_flat, table)
    probs4 = _head(pooled.reshape(_HR, 128), fc_w, fc_b)
    return probs4.reshape(_B, 1)

# --- scband reference (transcript-rebuilt; emitter-appended) ---
"""Pipeline reference for scband-nbwvanilla-model-2379411882023 (READ-ONLY COPY).

The authoritative reference and input builder live on the scoring server;
editing this copy changes nothing except your own understanding.
"""

import jax, jax.numpy as jnp
import numpy as np

VOCAB = 1000000
EMBED_DIM = 32
BATCH = 4096
SEQ = 200


def setup_inputs(seed: int = 0) -> dict:
    key = jax.random.key(seed)
    k_text, k_table, k_fcw, k_fcb = jax.random.split(key, 4)
    text = jax.random.randint(k_text, (BATCH, SEQ), 0, VOCAB, dtype=jnp.int64 if jax.config.jax_enable_x64 else jnp.int32)
    table = jax.random.normal(k_table, (VOCAB, EMBED_DIM), dtype=jnp.float32) * 0.02
    fc_w = jax.random.normal(k_fcw, (1, EMBED_DIM), dtype=jnp.float32) * (1.0 / np.sqrt(EMBED_DIM))
    fc_b = jnp.zeros((1,), dtype=jnp.float32)
    return {"text": text, "table": table, "fc_w": fc_w, "fc_b": fc_b}


def reference(text, table, fc_w, fc_b):
    # embedding lookup (gather)
    embedded = jnp.take(table, text, axis=0)          # [B, L, D]
    # permute + AdaptiveAvgPool1d(1) == mean over sequence length
    pooled = jnp.mean(embedded, axis=1)               # [B, D]
    # fc + sigmoid
    logits = pooled @ fc_w.T + fc_b                   # [B, 1]
    return jax.nn.sigmoid(logits)

if __name__ == "__main__":
    import jax
    _d = setup_inputs()
    print(jax.jit(kernel)(*tuple(_d.values())))

</pallas_src>

<mosaic_0001>
#map = affine_map<(d0, d1) -> (0)>
#map1 = affine_map<(d0, d1) -> (0, 0)>
module attributes {stable_mosaic.version = 14 : i64} {
  func.func @_pool_body(%arg0: i32, %arg1: i32, %arg2: memref<819200xi32, #tpu.memory_space<hbm>>, %arg3: memref<1000000x32xf32, #tpu.memory_space<hbm>>, %arg4: memref<131072xf32, #tpu.memory_space<hbm>>, %arg5: memref<25600xi32, #tpu.memory_space<vmem>>, %arg6: memref<2x200x32xf32, #tpu.memory_space<vmem>>, %arg7: memref<4096xf32, #tpu.memory_space<vmem>>, %arg8: memref<!tpu.dma_semaphore, #tpu.memory_space<semaphore_mem>>, %arg9: memref<!tpu.dma_semaphore, #tpu.memory_space<semaphore_mem>>) attributes {dimension_semantics = [#tpu.dimension_semantics<core_parallel>, #tpu.dimension_semantics<subcore_parallel>], iteration_bounds = array<i64: 2, 16>, scalar_prefetch = 0 : i64, scratch_operands = 5 : i64, tpu.core_type = #tpu.core_type<sc_vector_subcore>, window_params = [{transform_indices = #map}, {transform_indices = #map1}, {transform_indices = #map}]} {
    %mul3A = arith.constant 2 : i32
    %mul3A_0 = arith.muli %arg1, %mul3A : i32
    %add3A = arith.addi %mul3A_0, %arg0 : i32
    %mul3A_1 = arith.constant 128 : i32
    %mul3A_2 = arith.muli %add3A, %mul3A_1 : i32
    %mul3A_3 = arith.constant 200 : i32
    %mul3A_4 = arith.muli %mul3A_2, %mul3A_3 : i32
    "tpu.region"() ({
      %run_scoped3A = tpu.sem_alloc : memref<!tpu.dma_semaphore, #tpu.memory_space<semaphore_mem>>
      %dma_start3A_32 = tpu.memref_slice %arg2[%mul3A_4] : memref<819200xi32, #tpu.memory_space<hbm>> -> memref<25600xi32, #tpu.memory_space<hbm>>
      %dma_start3A_33 = tpu.memref_slice %arg2[%mul3A_4] : memref<819200xi32, #tpu.memory_space<hbm>> -> memref<25600xi32, #tpu.memory_space<hbm>>
      tpu.enqueue_dma source(%dma_start3A_33 : memref<25600xi32, #tpu.memory_space<hbm>>) target(%arg5 : memref<25600xi32, #tpu.memory_space<vmem>>) target_semaphore(%run_scoped3A : memref<!tpu.dma_semaphore, #tpu.memory_space<semaphore_mem>>)
      %dma_wait3A = tpu.memref_slice %arg2[%mul3A_4] : memref<819200xi32, #tpu.memory_space<hbm>> -> memref<25600xi32, #tpu.memory_space<hbm>>
      %dma_wait3A_34 = tpu.memref_slice %arg2[%mul3A_4] : memref<819200xi32, #tpu.memory_space<hbm>> -> memref<25600xi32, #tpu.memory_space<hbm>>
      tpu.wait_dma2 semaphore(%run_scoped3A : memref<!tpu.dma_semaphore, #tpu.memory_space<semaphore_mem>>) src(%dma_wait3A_34 : memref<25600xi32, #tpu.memory_space<hbm>>) dst(%arg5 : memref<25600xi32, #tpu.memory_space<vmem>>)
      tpu.yield
    }) : () -> ()
    %broadcast_in_dim3A = arith.constant 0.000000e+00 : f32
    %broadcast_in_dim3A_5 = vector.broadcast %broadcast_in_dim3A : f32 to vector<16xf32>
    %dma_start3A = arith.constant 0 : i32
    %dma_start3A_6 = arith.constant 0 : i32
    %dma_start3A_7 = arith.constant 0 : i32
    %dma_start3A_8 = tpu.memref_slice %arg6[%dma_start3A, %dma_start3A_6, %dma_start3A_7] : memref<2x200x32xf32, #tpu.memory_space<vmem>> -> memref<1x128x32xf32, #tpu.memory_space<vmem>>
    %dma_start3A_9 = tpu.memref_squeeze %dma_start3A_8 : memref<1x128x32xf32, #tpu.memory_space<vmem>> -> memref<128x32xf32, #tpu.memory_space<vmem>>
    %dma_start3A_10 = arith.constant 0 : i32
    %dma_start3A_11 = tpu.memref_slice %arg5[%dma_start3A_10] : memref<25600xi32, #tpu.memory_space<vmem>> -> memref<128xi32, #tpu.memory_space<vmem>>
    %dma_start3A_12 = arith.constant 0 : i32
    %dma_start3A_13 = arith.constant 0 : i32
    %dma_start3A_14 = tpu.memref_slice %arg3[%dma_start3A_12, %dma_start3A_13] : memref<1000000x32xf32, #tpu.memory_space<hbm>> -> memref<1000000x32xf32, #tpu.memory_space<hbm>>
    tpu.enqueue_indirect_dma source(%dma_start3A_14 : memref<1000000x32xf32, #tpu.memory_space<hbm>>) target(%dma_start3A_9 : memref<128x32xf32, #tpu.memory_space<vmem>>) offsets(%dma_start3A_11 : memref<128xi32, #tpu.memory_space<vmem>>) semaphore(%arg8 : memref<!tpu.dma_semaphore, #tpu.memory_space<semaphore_mem>>)
    %dma_start3A_15 = arith.constant 0 : i32
    %dma_start3A_16 = arith.constant 128 : i32
    %dma_start3A_17 = arith.constant 0 : i32
    %dma_start3A_18 = tpu.memref_slice %arg6[%dma_start3A_15, %dma_start3A_16, %dma_start3A_17] : memref<2x200x32xf32, #tpu.memory_space<vmem>> -> memref<1x72x32xf32, #tpu.memory_space<vmem>>
    %dma_start3A_19 = tpu.memref_squeeze %dma_start3A_18 : memref<1x72x32xf32, #tpu.memory_space<vmem>> -> memref<72x32xf32, #tpu.memory_space<vmem>>
    %dma_start3A_20 = arith.constant 128 : i32
    %dma_start3A_21 = tpu.memref_slice %arg5[%dma_start3A_20] : memref<25600xi32, #tpu.memory_space<vmem>> -> memref<72xi32, #tpu.memory_space<vmem>>
    %dma_start3A_22 = arith.constant 0 : i32
    %dma_start3A_23 = arith.constant 0 : i32
    %dma_start3A_24 = tpu.memref_slice %arg3[%dma_start3A_22, %dma_start3A_23] : memref<1000000x32xf32, #tpu.memory_space<hbm>> -> memref<1000000x32xf32, #tpu.memory_space<hbm>>
    tpu.enqueue_indirect_dma source(%dma_start3A_24 : memref<1000000x32xf32, #tpu.memory_space<hbm>>) target(%dma_start3A_19 : memref<72x32xf32, #tpu.memory_space<vmem>>) offsets(%dma_start3A_21 : memref<72xi32, #tpu.memory_space<vmem>>) semaphore(%arg8 : memref<!tpu.dma_semaphore, #tpu.memory_space<semaphore_mem>>)
    %scan3A = arith.constant 0 : i32
    %scan3A_25 = arith.constant 0 : i32
    %scan3A_26 = arith.constant 64 : i32
    %scan3A_27 = arith.addi %scan3A_25, %scan3A_26 : i32
    %scan3A_28 = arith.constant 1 : i32
    scf.for %scan3A_32 = %scan3A_25 to %scan3A_27 step %scan3A_28  : i32 {
      %mul3A_33 = arith.constant 2 : i32
      %mul3A_34 = arith.muli %mul3A_33, %scan3A_32 : i32
      %add3A_35 = arith.constant 1 : i32
      %add3A_36 = arith.addi %mul3A_34, %add3A_35 : i32
      %mul3A_37 = arith.constant 200 : i32
      %mul3A_38 = arith.muli %add3A_36, %mul3A_37 : i32
      %dma_start3A_39 = arith.constant 1 : i32
      %dma_start3A_40 = arith.constant 0 : i32
      %dma_start3A_41 = arith.constant 0 : i32
      %dma_start3A_42 = tpu.memref_slice %arg6[%dma_start3A_39, %dma_start3A_40, %dma_start3A_41] : memref<2x200x32xf32, #tpu.memory_space<vmem>> -> memref<1x128x32xf32, #tpu.memory_space<vmem>>
      %dma_start3A_43 = tpu.memref_squeeze %dma_start3A_42 : memref<1x128x32xf32, #tpu.memory_space<vmem>> -> memref<128x32xf32, #tpu.memory_space<vmem>>
      %dma_start3A_44 = tpu.memref_slice %arg5[%mul3A_38] : memref<25600xi32, #tpu.memory_space<vmem>> -> memref<128xi32, #tpu.memory_space<vmem>>
      %dma_start3A_45 = arith.constant 0 : i32
      %dma_start3A_46 = arith.constant 0 : i32
      %dma_start3A_47 = tpu.memref_slice %arg3[%dma_start3A_45, %dma_start3A_46] : memref<1000000x32xf32, #tpu.memory_space<hbm>> -> memref<1000000x32xf32, #tpu.memory_space<hbm>>
      tpu.enqueue_indirect_dma source(%dma_start3A_47 : memref<1000000x32xf32, #tpu.memory_space<hbm>>) target(%dma_start3A_43 : memref<128x32xf32, #tpu.memory_space<vmem>>) offsets(%dma_start3A_44 : memref<128xi32, #tpu.memory_space<vmem>>) semaphore(%arg9 : memref<!tpu.dma_semaphore, #tpu.memory_space<semaphore_mem>>)
      %add3A_48 = arith.constant 128 : i32
      %add3A_49 = arith.addi %mul3A_38, %add3A_48 : i32
      %dma_start3A_50 = arith.constant 1 : i32
      %dma_start3A_51 = arith.constant 128 : i32
      %dma_start3A_52 = arith.constant 0 : i32
      %dma_start3A_53 = tpu.memref_slice %arg6[%dma_start3A_50, %dma_start3A_51, %dma_start3A_52] : memref<2x200x32xf32, #tpu.memory_space<vmem>> -> memref<1x72x32xf32, #tpu.memory_space<vmem>>
      %dma_start3A_54 = tpu.memref_squeeze %dma_start3A_53 : memref<1x72x32xf32, #tpu.memory_space<vmem>> -> memref<72x32xf32, #tpu.memory_space<vmem>>
      %dma_start3A_55 = tpu.memref_slice %arg5[%add3A_49] : memref<25600xi32, #tpu.memory_space<vmem>> -> memref<72xi32, #tpu.memory_space<vmem>>
      %dma_start3A_56 = arith.constant 0 : i32
      %dma_start3A_57 = arith.constant 0 : i32
      %dma_start3A_58 = tpu.memref_slice %arg3[%dma_start3A_56, %dma_start3A_57] : memref<1000000x32xf32, #tpu.memory_space<hbm>> -> memref<1000000x32xf32, #tpu.memory_space<hbm>>
      tpu.enqueue_indirect_dma source(%dma_start3A_58 : memref<1000000x32xf32, #tpu.memory_space<hbm>>) target(%dma_start3A_54 : memref<72x32xf32, #tpu.memory_space<vmem>>) offsets(%dma_start3A_55 : memref<72xi32, #tpu.memory_space<vmem>>) semaphore(%arg9 : memref<!tpu.dma_semaphore, #tpu.memory_space<semaphore_mem>>)
      %dma_wait3A = arith.constant 0 : i32
      %dma_wait3A_59 = arith.constant 0 : i32
      %dma_wait3A_60 = arith.constant 0 : i32
      %dma_wait3A_61 = tpu.memref_slice %arg6[%dma_wait3A, %dma_wait3A_59, %dma_wait3A_60] : memref<2x200x32xf32, #tpu.memory_space<vmem>> -> memref<1x128x32xf32, #tpu.memory_space<vmem>>
      %dma_wait3A_62 = tpu.memref_squeeze %dma_wait3A_61 : memref<1x128x32xf32, #tpu.memory_space<vmem>> -> memref<128x32xf32, #tpu.memory_space<vmem>>
      %dma_wait3A_63 = arith.constant 0 : i32
      %dma_wait3A_64 = tpu.memref_slice %arg5[%dma_wait3A_63] : memref<25600xi32, #tpu.memory_space<vmem>> -> memref<128xi32, #tpu.memory_space<vmem>>
      %dma_wait3A_65 = arith.constant 0 : i32
      %dma_wait3A_66 = arith.constant 0 : i32
      %dma_wait3A_67 = tpu.memref_slice %arg3[%dma_wait3A_65, %dma_wait3A_66] : memref<1000000x32xf32, #tpu.memory_space<hbm>> -> memref<1000000x32xf32, #tpu.memory_space<hbm>>
      tpu.wait_indirect_dma semaphore(%arg8 : memref<!tpu.dma_semaphore, #tpu.memory_space<semaphore_mem>>) src(%dma_wait3A_67 : memref<1000000x32xf32, #tpu.memory_space<hbm>>) dst(%dma_wait3A_62 : memref<128x32xf32, #tpu.memory_space<vmem>>)
      %dma_wait3A_68 = arith.constant 0 : i32
      %dma_wait3A_69 = arith.constant 128 : i32
      %dma_wait3A_70 = arith.constant 0 : i32
      %dma_wait3A_71 = tpu.memref_slice %arg6[%dma_wait3A_68, %dma_wait3A_69, %dma_wait3A_70] : memref<2x200x32xf32, #tpu.memory_space<vmem>> -> memref<1x72x32xf32, #tpu.memory_space<vmem>>
      %dma_wait3A_72 = tpu.memref_squeeze %dma_wait3A_71 : memref<1x72x32xf32, #tpu.memory_space<vmem>> -> memref<72x32xf32, #tpu.memory_space<vmem>>
      %dma_wait3A_73 = arith.constant 0 : i32
      %dma_wait3A_74 = tpu.memref_slice %arg5[%dma_wait3A_73] : memref<25600xi32, #tpu.memory_space<vmem>> -> memref<72xi32, #tpu.memory_space<vmem>>
      %dma_wait3A_75 = arith.constant 0 : i32
      %dma_wait3A_76 = arith.constant 0 : i32
      %dma_wait3A_77 = tpu.memref_slice %arg3[%dma_wait3A_75, %dma_wait3A_76] : memref<1000000x32xf32, #tpu.memory_space<hbm>> -> memref<1000000x32xf32, #tpu.memory_space<hbm>>
      tpu.wait_indirect_dma semaphore(%arg8 : memref<!tpu.dma_semaphore, #tpu.memory_space<semaphore_mem>>) src(%dma_wait3A_77 : memref<1000000x32xf32, #tpu.memory_space<hbm>>) dst(%dma_wait3A_72 : memref<72x32xf32, #tpu.memory_space<vmem>>)
      %scan3A_78 = arith.constant 0 : i32
      %scan3A_79 = arith.constant 200 : i32
      %scan3A_80 = arith.addi %scan3A_78, %scan3A_79 : i32
      %scan3A_81 = arith.constant 1 : i32
      %scan3A_82:2 = scf.for %scan3A_143 = %scan3A_78 to %scan3A_80 step %scan3A_81 iter_args(%scan3A_144 = %broadcast_in_dim3A_5, %scan3A_145 = %broadcast_in_dim3A_5) -> (vector<16xf32>, vector<16xf32>)  : i32 {
        %get3A = arith.constant 0 : i32
        %get3A_146 = arith.index_cast %get3A : i32 to index
        %get3A_147 = arith.index_cast %scan3A_143 : i32 to index
        %get3A_148 = arith.constant 0 : index
        %get3A_149 = tpu.vector_load %arg6[%get3A_146, %get3A_147, %get3A_148] {strides = array<i32>} : memref<2x200x32xf32, #tpu.memory_space<vmem>>, vector<1x1x16xf32>,
        %get3A_150 = vector.shape_cast %get3A_149 : vector<1x1x16xf32> to vector<16xf32>
        %add3A_151 = arith.addf %scan3A_144, %get3A_150 : vector<16xf32>
        %get3A_152 = arith.constant 0 : i32
        %get3A_153 = arith.index_cast %get3A_152 : i32 to index
        %get3A_154 = arith.index_cast %scan3A_143 : i32 to index
        %get3A_155 = arith.constant 16 : index
        %get3A_156 = tpu.vector_load %arg6[%get3A_153, %get3A_154, %get3A_155] {strides = array<i32>} : memref<2x200x32xf32, #tpu.memory_space<vmem>>, vector<1x1x16xf32>,
        %get3A_157 = vector.shape_cast %get3A_156 : vector<1x1x16xf32> to vector<16xf32>
        %add3A_158 = arith.addf %scan3A_145, %get3A_157 : vector<16xf32>
        scf.yield %add3A_151, %add3A_158 : vector<16xf32>, vector<16xf32>
      }
      %scan3A_83 = arith.constant 200 : i32
      %mul3A_84 = arith.constant 32 : i32
      %mul3A_85 = arith.muli %mul3A_34, %mul3A_84 : i32
      %swap3A = arith.index_cast %mul3A_85 : i32 to index
      %swap3A_86 = tpu.vector_load %arg7[%swap3A] {strides = array<i32>} : memref<4096xf32, #tpu.memory_space<vmem>>, vector<16xf32>,
      %swap3A_87 = vector.shape_cast %swap3A_86 : vector<16xf32> to vector<16xf32>
      %swap3A_88 = vector.shape_cast %scan3A_82#0 : vector<16xf32> to vector<16xf32>
      tpu.vector_store %arg7[%swap3A], %swap3A_88 {strides = array<i32>} : memref<4096xf32, #tpu.memory_space<vmem>>, vector<16xf32>,
      %mul3A_89 = arith.constant 32 : i32
      %mul3A_90 = arith.muli %mul3A_34, %mul3A_89 : i32
      %add3A_91 = arith.constant 16 : i32
      %add3A_92 = arith.addi %mul3A_90, %add3A_91 : i32
      %swap3A_93 = arith.index_cast %add3A_92 : i32 to index
      %swap3A_94 = tpu.vector_load %arg7[%swap3A_93] {strides = array<i32>} : memref<4096xf32, #tpu.memory_space<vmem>>, vector<16xf32>,
      %swap3A_95 = vector.shape_cast %swap3A_94 : vector<16xf32> to vector<16xf32>
      %swap3A_96 = vector.shape_cast %scan3A_82#1 : vector<16xf32> to vector<16xf32>
      tpu.vector_store %arg7[%swap3A_93], %swap3A_96 {strides = array<i32>} : memref<4096xf32, #tpu.memory_space<vmem>>, vector<16xf32>,
      %add3A_97 = arith.constant 2 : i32
      %add3A_98 = arith.addi %mul3A_34, %add3A_97 : i32
      %lt3A = arith.constant 128 : i32
      %lt3A_99 = arith.cmpi slt, %add3A_98, %lt3A : i32
      %convert_element_type3A = arith.extui %lt3A_99 : i1 to i32
      %cond3A = arith.constant 0 : i32
      %cond3A_100 = arith.cmpi ne, %convert_element_type3A, %cond3A : i32
      scf.if %cond3A_100 {
        %add3A_143 = arith.constant 2 : i32
        %add3A_144 = arith.addi %mul3A_34, %add3A_143 : i32
        %mul3A_145 = arith.constant 200 : i32
        %mul3A_146 = arith.muli %add3A_144, %mul3A_145 : i32
        %dma_start3A_147 = arith.constant 0 : i32
        %dma_start3A_148 = arith.constant 0 : i32
        %dma_start3A_149 = arith.constant 0 : i32
        %dma_start3A_150 = tpu.memref_slice %arg6[%dma_start3A_147, %dma_start3A_148, %dma_start3A_149] : memref<2x200x32xf32, #tpu.memory_space<vmem>> -> memref<1x128x32xf32, #tpu.memory_space<vmem>>
        %dma_start3A_151 = tpu.memref_squeeze %dma_start3A_150 : memref<1x128x32xf32, #tpu.memory_space<vmem>> -> memref<128x32xf32, #tpu.memory_space<vmem>>
        %dma_start3A_152 = tpu.memref_slice %arg5[%mul3A_146] : memref<25600xi32, #tpu.memory_space<vmem>> -> memref<128xi32, #tpu.memory_space<vmem>>
        %dma_start3A_153 = arith.constant 0 : i32
        %dma_start3A_154 = arith.constant 0 : i32
        %dma_start3A_155 = tpu.memref_slice %arg3[%dma_start3A_153, %dma_start3A_154] : memref<1000000x32xf32, #tpu.memory_space<hbm>> -> memref<1000000x32xf32, #tpu.memory_space<hbm>>
        tpu.enqueue_indirect_dma source(%dma_start3A_155 : memref<1000000x32xf32, #tpu.memory_space<hbm>>) target(%dma_start3A_151 : memref<128x32xf32, #tpu.memory_space<vmem>>) offsets(%dma_start3A_152 : memref<128xi32, #tpu.memory_space<vmem>>) semaphore(%arg8 : memref<!tpu.dma_semaphore, #tpu.memory_space<semaphore_mem>>)
        %add3A_156 = arith.constant 128 : i32
        %add3A_157 = arith.addi %mul3A_146, %add3A_156 : i32
        %dma_start3A_158 = arith.constant 0 : i32
        %dma_start3A_159 = arith.constant 128 : i32
        %dma_start3A_160 = arith.constant 0 : i32
        %dma_start3A_161 = tpu.memref_slice %arg6[%dma_start3A_158, %dma_start3A_159, %dma_start3A_160] : memref<2x200x32xf32, #tpu.memory_space<vmem>> -> memref<1x72x32xf32, #tpu.memory_space<vmem>>
        %dma_start3A_162 = tpu.memref_squeeze %dma_start3A_161 : memref<1x72x32xf32, #tpu.memory_space<vmem>> -> memref<72x32xf32, #tpu.memory_space<vmem>>
        %dma_start3A_163 = tpu.memref_slice %arg5[%add3A_157] : memref<25600xi32, #tpu.memory_space<vmem>> -> memref<72xi32, #tpu.memory_space<vmem>>
        %dma_start3A_164 = arith.constant 0 : i32
        %dma_start3A_165 = arith.constant 0 : i32
        %dma_start3A_166 = tpu.memref_slice %arg3[%dma_start3A_164, %dma_start3A_165] : memref<1000000x32xf32, #tpu.memory_space<hbm>> -> memref<1000000x32xf32, #tpu.memory_space<hbm>>
        tpu.enqueue_indirect_dma source(%dma_start3A_166 : memref<1000000x32xf32, #tpu.memory_space<hbm>>) target(%dma_start3A_162 : memref<72x32xf32, #tpu.memory_space<vmem>>) offsets(%dma_start3A_163 : memref<72xi32, #tpu.memory_space<vmem>>) semaphore(%arg8 : memref<!tpu.dma_semaphore, #tpu.memory_space<semaphore_mem>>)
      } else {
      }
      %dma_wait3A_101 = arith.constant 1 : i32
      %dma_wait3A_102 = arith.constant 0 : i32
      %dma_wait3A_103 = arith.constant 0 : i32
      %dma_wait3A_104 = tpu.memref_slice %arg6[%dma_wait3A_101, %dma_wait3A_102, %dma_wait3A_103] : memref<2x200x32xf32, #tpu.memory_space<vmem>> -> memref<1x128x32xf32, #tpu.memory_space<vmem>>
      %dma_wait3A_105 = tpu.memref_squeeze %dma_wait3A_104 : memref<1x128x32xf32, #tpu.memory_space<vmem>> -> memref<128x32xf32, #tpu.memory_space<vmem>>
      %dma_wait3A_106 = arith.constant 0 : i32
      %dma_wait3A_107 = tpu.memref_slice %arg5[%dma_wait3A_106] : memref<25600xi32, #tpu.memory_space<vmem>> -> memref<128xi32, #tpu.memory_space<vmem>>
      %dma_wait3A_108 = arith.constant 0 : i32
      %dma_wait3A_109 = arith.constant 0 : i32
      %dma_wait3A_110 = tpu.memref_slice %arg3[%dma_wait3A_108, %dma_wait3A_109] : memref<1000000x32xf32, #tpu.memory_space<hbm>> -> memref<1000000x32xf32, #tpu.memory_space<hbm>>
      tpu.wait_indirect_dma semaphore(%arg9 : memref<!tpu.dma_semaphore, #tpu.memory_space<semaphore_mem>>) src(%dma_wait3A_110 : memref<1000000x32xf32, #tpu.memory_space<hbm>>) dst(%dma_wait3A_105 : memref<128x32xf32, #tpu.memory_space<vmem>>)
      %dma_wait3A_111 = arith.constant 1 : i32
      %dma_wait3A_112 = arith.constant 128 : i32
      %dma_wait3A_113 = arith.constant 0 : i32
      %dma_wait3A_114 = tpu.memref_slice %arg6[%dma_wait3A_111, %dma_wait3A_112, %dma_wait3A_113] : memref<2x200x32xf32, #tpu.memory_space<vmem>> -> memref<1x72x32xf32, #tpu.memory_space<vmem>>
      %dma_wait3A_115 = tpu.memref_squeeze %dma_wait3A_114 : memref<1x72x32xf32, #tpu.memory_space<vmem>> -> memref<72x32xf32, #tpu.memory_space<vmem>>
      %dma_wait3A_116 = arith.constant 0 : i32
      %dma_wait3A_117 = tpu.memref_slice %arg5[%dma_wait3A_116] : memref<25600xi32, #tpu.memory_space<vmem>> -> memref<72xi32, #tpu.memory_space<vmem>>
      %dma_wait3A_118 = arith.constant 0 : i32
      %dma_wait3A_119 = arith.constant 0 : i32
      %dma_wait3A_120 = tpu.memref_slice %arg3[%dma_wait3A_118, %dma_wait3A_119] : memref<1000000x32xf32, #tpu.memory_space<hbm>> -> memref<1000000x32xf32, #tpu.memory_space<hbm>>
      tpu.wait_indirect_dma semaphore(%arg9 : memref<!tpu.dma_semaphore, #tpu.memory_space<semaphore_mem>>) src(%dma_wait3A_120 : memref<1000000x32xf32, #tpu.memory_space<hbm>>) dst(%dma_wait3A_115 : memref<72x32xf32, #tpu.memory_space<vmem>>)
      %add3A_121 = arith.constant 1 : i32
      %add3A_122 = arith.addi %mul3A_34, %add3A_121 : i32
      %scan3A_123 = arith.constant 0 : i32
      %scan3A_124 = arith.constant 200 : i32
      %scan3A_125 = arith.addi %scan3A_123, %scan3A_124 : i32
      %scan3A_126 = arith.constant 1 : i32
      %scan3A_127:2 = scf.for %scan3A_143 = %scan3A_123 to %scan3A_125 step %scan3A_126 iter_args(%scan3A_144 = %broadcast_in_dim3A_5, %scan3A_145 = %broadcast_in_dim3A_5) -> (vector<16xf32>, vector<16xf32>)  : i32 {
        %get3A = arith.constant 1 : i32
        %get3A_146 = arith.index_cast %get3A : i32 to index
        %get3A_147 = arith.index_cast %scan3A_143 : i32 to index
        %get3A_148 = arith.constant 0 : index
        %get3A_149 = tpu.vector_load %arg6[%get3A_146, %get3A_147, %get3A_148] {strides = array<i32>} : memref<2x200x32xf32, #tpu.memory_space<vmem>>, vector<1x1x16xf32>,
        %get3A_150 = vector.shape_cast %get3A_149 : vector<1x1x16xf32> to vector<16xf32>
        %add3A_151 = arith.addf %scan3A_144, %get3A_150 : vector<16xf32>
        %get3A_152 = arith.constant 1 : i32
        %get3A_153 = arith.index_cast %get3A_152 : i32 to index
        %get3A_154 = arith.index_cast %scan3A_143 : i32 to index
        %get3A_155 = arith.constant 16 : index
        %get3A_156 = tpu.vector_load %arg6[%get3A_153, %get3A_154, %get3A_155] {strides = array<i32>} : memref<2x200x32xf32, #tpu.memory_space<vmem>>, vector<1x1x16xf32>,
        %get3A_157 = vector.shape_cast %get3A_156 : vector<1x1x16xf32> to vector<16xf32>
        %add3A_158 = arith.addf %scan3A_145, %get3A_157 : vector<16xf32>
        scf.yield %add3A_151, %add3A_158 : vector<16xf32>, vector<16xf32>
      }
      %scan3A_128 = arith.constant 200 : i32
      %mul3A_129 = arith.constant 32 : i32
      %mul3A_130 = arith.muli %add3A_122, %mul3A_129 : i32
      %swap3A_131 = arith.index_cast %mul3A_130 : i32 to index
      %swap3A_132 = tpu.vector_load %arg7[%swap3A_131] {strides = array<i32>} : memref<4096xf32, #tpu.memory_space<vmem>>, vector<16xf32>,
      %swap3A_133 = vector.shape_cast %swap3A_132 : vector<16xf32> to vector<16xf32>
      %swap3A_134 = vector.shape_cast %scan3A_127#0 : vector<16xf32> to vector<16xf32>
      tpu.vector_store %arg7[%swap3A_131], %swap3A_134 {strides = array<i32>} : memref<4096xf32, #tpu.memory_space<vmem>>, vector<16xf32>,
      %mul3A_135 = arith.constant 32 : i32
      %mul3A_136 = arith.muli %add3A_122, %mul3A_135 : i32
      %add3A_137 = arith.constant 16 : i32
      %add3A_138 = arith.addi %mul3A_136, %add3A_137 : i32
      %swap3A_139 = arith.index_cast %add3A_138 : i32 to index
      %swap3A_140 = tpu.vector_load %arg7[%swap3A_139] {strides = array<i32>} : memref<4096xf32, #tpu.memory_space<vmem>>, vector<16xf32>,
      %swap3A_141 = vector.shape_cast %swap3A_140 : vector<16xf32> to vector<16xf32>
      %swap3A_142 = vector.shape_cast %scan3A_127#1 : vector<16xf32> to vector<16xf32>
      tpu.vector_store %arg7[%swap3A_139], %swap3A_142 {strides = array<i32>} : memref<4096xf32, #tpu.memory_space<vmem>>, vector<16xf32>,
    }
    %scan3A_29 = arith.constant 64 : i32
    %mul3A_30 = arith.constant 32 : i32
    %mul3A_31 = arith.muli %mul3A_2, %mul3A_30 : i32
    "tpu.region"() ({
      %run_scoped3A = tpu.sem_alloc : memref<!tpu.dma_semaphore, #tpu.memory_space<semaphore_mem>>
      %dma_start3A_32 = tpu.memref_slice %arg4[%mul3A_31] : memref<131072xf32, #tpu.memory_space<hbm>> -> memref<4096xf32, #tpu.memory_space<hbm>>
      %dma_start3A_33 = tpu.memref_slice %arg4[%mul3A_31] : memref<131072xf32, #tpu.memory_space<hbm>> -> memref<4096xf32, #tpu.memory_space<hbm>>
      tpu.enqueue_dma source(%arg7 : memref<4096xf32, #tpu.memory_space<vmem>>) target(%dma_start3A_33 : memref<4096xf32, #tpu.memory_space<hbm>>) target_semaphore(%run_scoped3A : memref<!tpu.dma_semaphore, #tpu.memory_space<semaphore_mem>>)
      %dma_wait3A = tpu.memref_slice %arg4[%mul3A_31] : memref<131072xf32, #tpu.memory_space<hbm>> -> memref<4096xf32, #tpu.memory_space<hbm>>
      %dma_wait3A_34 = tpu.memref_slice %arg4[%mul3A_31] : memref<131072xf32, #tpu.memory_space<hbm>> -> memref<4096xf32, #tpu.memory_space<hbm>>
      tpu.wait_dma2 semaphore(%run_scoped3A : memref<!tpu.dma_semaphore, #tpu.memory_space<semaphore_mem>>) src(%arg7 : memref<4096xf32, #tpu.memory_space<vmem>>) dst(%dma_wait3A_34 : memref<4096xf32, #tpu.memory_space<hbm>>)
      tpu.yield
    }) : () -> ()
    return
  }
}

module attributes {stable_mosaic.version = 14 : i64} {
  func.func @_head_body(%arg0: memref<1024x128xf32, #tpu.memory_space<vmem>>, %arg1: memref<128x4xf32, #tpu.memory_space<vmem>>, %arg2: memref<1xf32, #tpu.memory_space<smem>>, %arg3: memref<1024x4xf32, #tpu.memory_space<vmem>>) attributes {dimension_semantics = [], scalar_prefetch = 0 : i64, scratch_operands = 0 : i64, tpu.core_type = #tpu.core_type<tc>} {
    %get3A = arith.constant 0 : index
    %get3A_0 = arith.constant 0 : index
    %get3A_1 = vector.load %arg0[%get3A, %get3A_0] : memref<1024x128xf32, #tpu.memory_space<vmem>>, vector<1024x128xf32>
    %get3A_2 = arith.constant 0 : index
    %get3A_3 = arith.constant 0 : index
    %get3A_4 = vector.load %arg1[%get3A_2, %get3A_3] : memref<128x4xf32, #tpu.memory_space<vmem>>, vector<128x4xf32>
    %dot_general3A = arith.constant dense<0.000000e+00> : vector<1024x4xf32>
    %dot_general3A_5 = tpu.matmul %get3A_1, %get3A_4, %dot_general3A {dimension_numbers = #tpu.dot_dimension_numbers<[1], [0], [0], [1], [0, 0, 1, 1], [], []>, transpose_lhs_hint = false} : vector<1024x128xf32>, vector<128x4xf32>, vector<1024x4xf32> -> vector<1024x4xf32>
    %get3A_6 = arith.constant 0 : index
    %get3A_7 = memref.load %arg2[%get3A_6] : memref<1xf32, #tpu.memory_space<smem>>
    %add3A = vector.broadcast %get3A_7 : f32 to vector<1024x4xf32>
    %add3A_8 = arith.addf %dot_general3A_5, %add3A : vector<1024x4xf32>
    %neg3A = arith.constant 0.000000e+00 : f32
    %neg3A_9 = vector.broadcast %neg3A : f32 to vector<1024x4xf32>
    %neg3A_10 = arith.subf %neg3A_9, %add3A_8 : vector<1024x4xf32>
    %exp3A = math.exp %neg3A_10 : vector<1024x4xf32>
    %add3A_11 = arith.constant 1.000000e+00 : f32
    %add3A_12 = vector.broadcast %add3A_11 : f32 to vector<1024x4xf32>
    %add3A_13 = arith.addf %add3A_12, %exp3A : vector<1024x4xf32>
    %div3A = arith.constant 1.000000e+00 : f32
    %div3A_14 = vector.broadcast %div3A : f32 to vector<1024x4xf32>
    %div3A_15 = arith.divf %div3A_14, %add3A_13 : vector<1024x4xf32>
    %swap3A = arith.constant 0 : index
    %swap3A_16 = arith.constant 0 : index
    %swap3A_17 = vector.load %arg3[%swap3A, %swap3A_16] : memref<1024x4xf32, #tpu.memory_space<vmem>>, vector<1024x4xf32>
    tpu.vector_store %arg3[%swap3A, %swap3A_16], %div3A_15 {strides = array<i32>} : memref<1024x4xf32, #tpu.memory_space<vmem>>, vector<1024x4xf32>,
    return
  }
}

</mosaic_0001>

<sc_bundles>
// kernel: kernel.4.cloned.1.call-start
scs
__scs_entry_jumppad:
0x0: {  	(pc) =	sbr.rel $0x88, $3  }
0x1: {  	(tag) =	ssettag $0x0;
	lr =	simm.s32 $0x1  }
0x2: {  	[smem:$0x3F9D] =	sst lr;
	_ =	strace $0xD0000000  }
0x3: {  	_ = 	snop  }
0x4: {  	_ = 	snop  }
0x5: {  	_ = 	snop  }
0x6: {  	_ = 	snop  }
0x7: {  	_ = 	snop  }
__scs_overlays_trampoline_lowered:
0x8: {  	[smem:$0x3FAC] =	sst s0  }
0x9: {  	[smem:$0x3FAD] =	sst s1  }
0xa: {  	[smem:$0x3FAE] =	sst s2  }
0xb: {  	[smem:$0x3FAF] =	sst s3  }
0xc: {  	[smem:$0x3FB0] =	sst s4  }
0xd: {  	[smem:$0x3FB1] =	sst s5  }
0xe: {  	[smem:$0x3FB2] =	sst s6  }
0xf: {  	[smem:$0x3FB3] =	sst s7  }
0x10: {  	[smem:$0x3FB4] =	sst s8  }
0x11: {  	[smem:$0x3FB5] =	sst s9;
	s0 =	simm.s32 @!p0 $0x0  }
0x12: {  	s1 =	sld [smem:$0x3F9B];
	s0 =	simm.s32 @p0 $0x1  }
0x13: {  	[smem:$0x3FB6] =	sst s0;
	s0 =	simm.s32 @!p1 $0x0  }
0x14: {  	s2 =	sld [smem:$0x3F9A];
	s0 =	simm.s32 @p1 $0x1  }
0x15: {  	[smem:$0x3FB7] =	sst s0;
	s0 =	simm.s32 @!p2 $0x0  }
0x16: {  	s3 =	sld [smem:$0x3FDB];
	s0 =	simm.s32 @p2 $0x1  }
0x17: {  	s4 =	simm.s32 $0x1BF5;
	[smem:$0x3FB9] =	sst s0  }
0x18: {  	s0 =	sld [smem:$0x3F9C];
	_ =	swait.ge [sflag:s4], $0x0  }
0x19: {  	s7 =	sld [smem:$0x3F9D]  }
0x1a: {  	s8 =	sadd.s32 $0xFFFFE003, lr  }
0x1b: {  	s9 =	sadd.s32 $0xFFFFFEF7, lr;
	s5 =	simm.s32 $0xFFFFFFFF;
	p2 =	slt.u32 s8, $0xFFFFF086  }
0x1c: {  	p1 =	slt.u32 s9, $0xF7A;
	s5 =	simm.s32 @!p2 $0x0  }
0x1d: {  	s5 =	simm.s32 @p1 $0x1;
	p0 =	seq.s32 s7, s2  }
0x1e: {  	s7 =	smul.u32 @!p0 $0xF7A, s2;
	p2 =	seq.s32 @!p0 s5, $0x0  }
0x1f: {  	s9 =	smul.u32 $0xF7A, s1;
	s8 =	simm.s32 @!p0 $0x1BF5;
	p2 =	por !p2, p0  }
0x20: {  	[sflag:s8] =	ssyncset.s32 @!p0 $0xFFFFF086;
	s6 =	sadd.s32 @!p0 s3, s7;
	s7 =	simm.s32 @!p0 $0x108  }
0x21: {  	s3 =	sadd.s32 s3, s9;
	s6 =	sadd.s32 @!p0 $0x88, s6;
	s7 =	simm.s32 @p2 $0x1082  }
0x22: {  	[simem:s7], [sflag:s8] =	dma.local @!p0 [hbm:s6], $0xF7A  }
0x23: {  	s9 =	sor.u32 $0xD0000000, s2;
	s6 =	simm.s32 $0x108;
	_ =	swait.ge @!p0 [sflag:s8], $0x0  }
0x24: {  	s3 =	sadd.s32 $0x88, s3;
	s6 =	simm.s32 @!p1 $0x1082;
	[sflag:s4] =	ssyncset.s32 $0xFFFFF086  }
0x25: {  	[simem:s6], [sflag:s4] =	dma.local [hbm:s3], $0xF7A  }
0x26: {  	[smem:$0x3F9D] =	sst s1;
	(tag) =	ssettag s2;
	_ =	strace s9  }
0x27: {  	s1 =	sld [smem:$0x3FAD]  }
0x28: {  	s2 =	sld [smem:$0x3FAE]  }
0x29: {  	s4 =	sld [smem:$0x3FB0]  }
0x2a: {  	p0 =	seq.s32 s5, $0x0;
	s5 =	sld [smem:$0x3FB1]  }
0x2b: {  	s6 =	sld [smem:$0x3FB2]  }
0x2c: {  	s7 =	sld [smem:$0x3FB3]  }
0x2d: {  	s3 =	simm.s32 $0x108;
	s8 =	sld [smem:$0x3FB4]  }
0x2e: {  	s3 =	simm.s32 @!p0 $0x1082;
	s9 =	sld [smem:$0x3FB5]  }
0x2f: {  	lr =	sadd.s32 s0, s3;
	s0 =	sld [smem:$0x3FAC]  }
0x30: {  	s3 =	sld [smem:$0x3FAF]  }
0x31: {  	[smem:$0x3FB8] =	sst s10  }
0x32: {  	s10 =	sld [smem:$0x3FB6];
	_ =	sdelay $0x3  }
0x33: {  	p0 =	seq.s32 s10, $0x1;
	s10 =	sld [smem:$0x3FB8];
	_ =	sdelay $0x3  }
0x34: {  	[smem:$0x3FB8] =	sst s10  }
0x35: {  	s10 =	sld [smem:$0x3FB7];
	_ =	sdelay $0x3  }
0x36: {  	p1 =	seq.s32 s10, $0x1;
	s10 =	sld [smem:$0x3FB8];
	_ =	sdelay $0x3  }
0x37: {  	[smem:$0x3FB8] =	sst s10  }
0x38: {  	s10 =	sld [smem:$0x3FB9]  }
0x39: {  	_ = 	snop;
	(pc) =	sbr.ind lr, $3  }
0x3a: {  	_ = 	snop  }
0x3b: {  	_ = 	snop  }
0x3c: {  	p2 =	seq.s32 s10, $0x1;
	s10 =	sld [smem:$0x3FB8]  }
0x3d: {  	_ =	shalt  }
0x3e: {  	_ =	shalt  }
0x3f: {  	_ =	shalt  }
0x40: {  	_ =	shalt  }
0x41: {  	_ =	shalt  }
0x42: {  	_ =	shalt  }
0x43: {  	_ =	shalt  }
0x44: {  	_ =	shalt  }
0x45: {  	_ =	shalt  }
0x46: {  	_ =	shalt  }
0x47: {  	_ =	shalt  }
0x48: {  	_ =	shalt  }
0x49: {  	_ =	shalt  }
0x4a: {  	_ =	shalt  }
0x4b: {  	_ =	shalt  }
0x4c: {  	_ =	shalt  }
0x4d: {  	_ =	shalt  }
0x4e: {  	_ =	shalt  }
0x4f: {  	_ =	shalt  }
0x50: {  	_ =	shalt  }
0x51: {  	_ =	shalt  }
0x52: {  	_ =	shalt  }
0x53: {  	_ =	shalt  }
0x54: {  	_ =	shalt  }
0x55: {  	_ =	shalt  }
0x56: {  	_ =	shalt  }
0x57: {  	_ =	shalt  }
0x58: {  	_ =	shalt  }
0x59: {  	_ =	shalt  }
0x5a: {  	_ =	shalt  }
0x5b: {  	_ =	shalt  }
0x5c: {  	_ =	shalt  }
0x5d: {  	_ =	shalt  }
0x5e: {  	_ =	shalt  }
0x5f: {  	_ =	shalt  }
0x60: {  	_ =	shalt  }
0x61: {  	_ =	shalt  }
0x62: {  	_ =	shalt  }
0x63: {  	_ =	shalt  }
0x64: {  	_ =	shalt  }
0x65: {  	_ =	shalt  }
0x66: {  	_ =	shalt  }
0x67: {  	_ =	shalt  }
0x68: {  	_ =	shalt  }
0x69: {  	_ =	shalt  }
0x6a: {  	_ =	shalt  }
0x6b: {  	_ =	shalt  }
0x6c: {  	_ =	shalt  }
0x6d: {  	_ =	shalt  }
0x6e: {  	_ =	shalt  }
0x6f: {  	_ =	shalt  }
0x70: {  	_ =	shalt  }
0x71: {  	_ =	shalt  }
0x72: {  	_ =	shalt  }
0x73: {  	_ =	shalt  }
0x74: {  	_ =	shalt  }
0x75: {  	_ =	shalt  }
0x76: {  	_ =	shalt  }
0x77: {  	_ =	shalt  }
0x78: {  	_ =	shalt  }
0x79: {  	_ =	shalt  }
0x7a: {  	_ =	shalt  }
0x7b: {  	_ =	shalt  }
0x7c: {  	_ =	shalt  }
0x7d: {  	_ =	shalt  }
0x7e: {  	_ =	shalt  }
0x7f: {  	_ =	shalt  }
0x80: {  	_ =	shalt  }
0x81: {  	_ =	shalt  }
0x82: {  	_ =	shalt  }
0x83: {  	_ =	shalt  }
0x84: {  	_ =	shalt  }
0x85: {  	_ =	shalt  }
0x86: {  	_ =	shalt  }
0x87: {  	_ =	shalt  }
.Lfunc_end0:
.L_simem_size_0:
called_computation_lowered:
.L_overlay_start_0:
0x88: {  	s2 =	sld [smem:$0x3FD9]  }
0x89: {  	s3 =	sld [smem:$0x3FFE];
	_ =	sdelay $0x1  }
0x8a: {  	s1 =	srdreg.scid  }
0x8b: {  	s0 =	sand.u32 $0x1, s1  }
0x8c: {  	s16 =	sshll.u32 s0, $0xA;
	s2 =	sadd.s32 s3, s2  }
0x8d: {  	s2 =	sadd.s32 s2, s16  }
0x8e: {  	[smem:$0x3FC4] =	sst s2  }
0x8f: {  	_ = 	snop  }
0x90: {  	(tm) =	ssettm $0x1  }
0x91: {  	s17 =	sld [smem:$0x3FFB];
	_ =	sdelay $0x3  }
0x92: {  	_ =	strace s17  }
0x93: {  	s2 =	sld [smem:$0x3FFC];
	_ =	sdelay $0x3  }
0x94: {  	_ =	strace s2  }
0x95: {  	s2 =	sld [smem:$0x3FFD];
	_ =	sdelay $0x3  }
0x96: {  	_ =	strace s2  }
0x97: {  	_ =	strace $0x8FFFFFFF  }
0x98: {  	s18 =	sld [smem:$0x3FDB];
	_ =	sdelay $0x1  }
0x99: {  	s19 =	simm.s32 $_scs_section_size  }
0x9a: {  	s4 =	simm.s32 $_size__tile_overlayer_lowered;
	s5 =	simm.s32 $_tile_overlayer_lowered  }
0x9b: {  	s22 =	simm.s32 $0x1BFF;
	s21 =	sshll.u32 s5, $0x1;
	s2 =	sadd.s32 s19, s18  }
0x9c: {  	s6 =	simm.s32 $0x0;
	s20 =	sshll.u32 s4, $0x1;
	s4 =	sadd.s32 s21, s2  }
0x9d: {  	[timem:s6], [sflag:s22] =	dma.local [hbm:s4], s20  }
0x9e: {  	_ =	swait.ge [sflag:s22], s20  }
0x9f: {  	s3 =	ssub.s32 $0x0, s20;
	[sflag:s22] =	ssyncset.done $0x0  }
0xa0: {  	[sflag:s22] =	ssyncadd.s32 s3;
	_ =	sdelay $0x1  }
0xa1: {  	s23 =	simm.s32 $0x1B8B  }
0xa2: {  	_ =	swait.ge [sflag:s23], $0x1  }
0xa3: {  	[sflag:s23] =	ssyncset.done $0x0  }
0xa4: {  	s25 =	simm.s32 $0x1B8E;
	s24 =	sld [smem:$0x3FFE];
	[sflag:s23] =	ssyncadd.s32 $0xFFFFFFFF  }
0xa5: {  	s26 =	simm.s32 $execute0_lowered;
	[smem:$0x3FD2] =	sst s25  }
0xa6: {  	s4 =	sshll.u32 s26, $0x1;
	_ =	strace $0x80000046;
	[dreg:$0x1] =	wrdreg $0xFFFFFFFF  }
0xa7: {  	s28 =	simm.s32 $_size_execute0_lowered;
	s2 =	sadd.s32 s2, s4;
	[dreg:$0x0] =	wrdreg $0x0  }
0xa8: {  	s4 =	sshll.u32 s28, $0x1;
	[dreg:$0x2] =	wrdreg s2  }
0xa9: {  	[dreg:$0x3] =	wrdreg s4  }
0xaa: {  	[dreg:$0x4] =	wrdreg $0xC0  }
0xab: {  	_ =	task [dreg:s6], $0x5FFFF  }
0xac: {  	[dreg:$0x1] =	wrdreg $0xFFFFFFFF  }
0xad: {  	[dreg:$0x0] =	wrdreg $0x60  }
0xae: {  	[dreg:$0x2] =	wrdreg s24  }
0xaf: {  	[dreg:$0x3] =	wrdreg $0x9  }
0xb0: {  	_ =	task.clear_ibuf [dreg:s6], $0x4FFFF;
	_ =	strace $0x90000046  }
0xb1: {  	s29 =	simm.s32 $0x9;
	_ =	strace $0x80000048  }
0xb2: {  	_ =	swait.ge [sflag:s29], $0x1  }
0xb3: {  	[sflag:s29] =	ssyncadd.s32 $0xFFFFFFFF  }
0xb4: {  	_ =	strace $0x90000048  }
0xb5: {  	_ =	sfence  }
0xb6: {  	s30 =	sld [smem:$0x0];
	_ =	sdelay $0x2  }
0xb7: {  	s31 =	sshll.u32 s1, $0xD;
	s1 =	sshrl.u32 s1, $0x2  }
0xb8: {  	s3 =	sand.u32 $0x4000, s31;
	s1 =	sadd.s32 s1, s30  }
0xb9: {  	s0 =	sor.u32 s3, s0;
	s1 =	sshll.u32 s1, $0x11  }
0xba: {  	s0 =	sor.u32 s1, s0  }
0xbb: {  	s0 =	sadd.s32 $0x8F2B, s0  }
0xbc: {  	[sflag:s0] =	ssyncadd.remote.s32 $0x1  }
0xbd: {  	_ =	sfence.sel $0xFFFF  }
0xbe: {  	[dreg:$0x0] =	wrdreg $0xFFFFFFFF;
	(pc) =	sbr.abs _section_cstart, $3  }
0xbf: {  	[dreg:$0x1] =	wrdreg $0xFFFFFFFF  }
0xc0: {  	_ =	task.clear_ibuf [dreg:s6], $0x2FFFF;
	_ =	strace $0x9FFFFFFF  }
0xc1: {  	(tm) =	ssettm $0x7FFFFFFF  }
tec
execute0_lowered:
.L_overlay_start_1:
0x0: {  	(tag) =	ssettag $0x1  }
0x1: {  	s1 =	srdreg.scid;
	s0 =	stileid.u32  }
0x2: {  	s4 =	rddreg [dreg:$0x0];
	s2 =	simm.s32 $0x0;
	s8 =	simm.s32 $0x80  }
0x3: {  	s9 =	simm.s32 $0x6400;
	s10 =	simm.s32 $0x48;
	s11 =	simm.s32 $0x7400  }
0x4: {  	s12 =	simm.s32 $0x7D00;
	s13 =	simm.s32 $0x8D00;
	s14 =	simm.s32 $0x1  }
0x5: {  	s15 =	simm.s32 $0x2;
	s16 =	simm.s32 $0x9600;
	s17 =	simm.s32 $0x0  }
0x6: {  	s3 =	sand.u32 $0x1, s1;
	s5 =	sshll.u32 s0, $0x1;
	[smem:$0x7FF] =	sst s2  }
0x7: {  	s1 =	rddreg [dreg:$0x1];
	s5 =	sor.u32 s3, s5;
	_ =	strace $0x80000047  }
0x8: {  	s7 =	ssub.s32 $0x2, s3;
	s6 =	smul.u32 $0xC80, s5;
	s5 =	sshll.u32 s5, $0x9  }
0x9: {  	s3 =	sadd.s32 $0xF42E00, s4;
	s31 =	sshrl.u32 s7, $0x1;
	s5 =	sadd.s32 s5, s4  }
0xa: {  	s7 =	ssub.s32 s7, s31;
	s6 =	sadd.s32 s6, s4;
	s5 =	sadd.s32 $0x19A00, s5  }
0xb: {  	s4 =	sadd.s32 $0xA00, s6;
	s6 =	smax.u32 s7, $0x1;
	s7 =	simm.s32 $0x3  }
.LBB2_1:
0xc: {  	[tilespmem:s2], [sflag:$0x3] =	stream.linear.gather [hbm4b:s4+s2], $0x6400, $0x38;
	[tilespmem:$0xA600] =	vst v63  }
0xd: {  	_ =	swait.ge [sflag:s7], $0x6400  }
0xe: {  	[sflag:s7] =	ssyncset.done $0x0  }
0xf: {  	[sflag:s7] =	ssyncadd.s32 $0xFFFF9C00  }
0x10: {  	[tilespmem:s9], [sflag:$0x1] =	stream.indirect.gather [hbm4b:s3+s8], $0x20, s2, s8, $0xb8;
	[tilespmem:$0xA600] =	vst v63  }
0x11: {  	s18 =	simm.s32 $0x0  }
0x12: {  	[tilespmem:s11], [sflag:$0x1] =	stream.indirect.gather [hbm4b:s3+s10], $0x20, s8, s10, $0xb8;
	[tilespmem:$0xA600] =	vst v63  }
.LBB2_2:
0x13: {  	s19 =	sshllo.u32 s18, $0x1  }
0x14: {  	s20 =	smul.u32 $0x320, s19;
	_ =	sdelay $0x1  }
0x15: {  	s20 =	sshra.s32 s20, $0x2  }
0x16: {  	[tilespmem:s12], [sflag:$0x2] =	stream.indirect.gather [hbm4b:s3+s8], $0x20, s20, s8, $0xb8;
	[tilespmem:$0xA600] =	vst v63  }
0x17: {  	s20 =	sadd.s32 $0x80, s20  }
0x18: {  	[tilespmem:s13], [sflag:$0x2] =	stream.indirect.gather [hbm4b:s3+s10], $0x20, s20, s10, $0xb8;
	[tilespmem:$0xA600] =	vst v63  }
0x19: {  	_ =	swait.ge [sflag:s14], $0x1000  }
0x1a: {  	[sflag:s14] =	ssyncset.done $0x0  }
0x1b: {  	[sflag:s14] =	ssyncadd.s32 $0xFFFFF000  }
0x1c: {  	_ =	swait.ge [sflag:s14], $0x900  }
0x1d: {  	[sflag:s14] =	ssyncset.done $0x0  }
0x1e: {  	s21 =	simm.s32 $0x0;
	[sflag:s14] =	ssyncadd.s32 $0xFFFFF700  }
0x1f: {  	v1 =	vld [tilespmem:s21+$0x6410]  }
0x20: {  	v0 =	vimm.f32 $0.0e+00;
	v2 =	vimm.f32 $0.0e+00;
	s20 =	simm.s32 $0x80;
	v3 =	vld [tilespmem:s21+$0x6400]  }
.LBB2_3:
0x21: {  	p0 =	sne.s32 s20, $0x6380  }
.Ltmp0:
0x22: {  	_ = 	snop;
	(pc) =	sbr.rel @p0 .LBB2_3-.Ltmp0, $4  }
0x23: {  	_ = 	snop  }
0x24: {  	s21 =	sshra.s32 s20, $0x2;
	s20 =	sadd.s32 $0x80, s20;
	v0 =	vadd.f32 v1, v0  }
0x25: {  	v1 =	vld [tilespmem:s21+$0x6410];
	v2 =	vadd.f32 v3, v2  }
0x26: {  	v3 =	vld [tilespmem:s21+$0x6400]  }
0x27: {  	_ =	sdelay $0x1  }
0x28: {  	p0 =	seq.s32 s18, $0x3F  }
0x29: {  	s20 =	sshll.u32 s18, $0x6;
	s21 =	smul.u32 @!p0 $0x640, s18;
	v0 =	vadd.f32 v1, v0  }
0x2a: {  	s20 =	sand.u32 $0x3FFFFFC0, s20;
	v2 =	vadd.f32 v3, v2  }
0x2b: {  	s21 =	sshra.s32 @!p0 s21, $0x2;
	[tilespmem:s20+$0x9610] =	vst v0  }
0x2c: {  	s22 =	simm.s32 @!p0 $0x80;
	s23 =	simm.s32 @!p0 $0x6400;
	[tilespmem:s20+$0x9600] =	vst v2;
	s20 =	sadd.s32 @!p0 $0x190, s21  }
0x2d: {  	[tilespmem:s23], [sflag:$0x1] =	stream.indirect.gather @!p0 [hbm4b:s3+s22], $0x20, s20, s22, $0xb8;
	[tilespmem:$0xA600] =	vst v63  }
0x2e: {  	s20 =	sadd.s32 @!p0 $0x210, s21;
	s21 =	simm.s32 @!p0 $0x48;
	s22 =	simm.s32 @!p0 $0x7400  }
0x2f: {  	[tilespmem:s22], [sflag:$0x1] =	stream.indirect.gather @!p0 [hbm4b:s3+s21], $0x20, s20, s21, $0xb8;
	[tilespmem:$0xA600] =	vst v63  }
0x30: {  	_ =	swait.ge [sflag:s15], $0x1000  }
0x31: {  	[sflag:s15] =	ssyncset.done $0x0  }
0x32: {  	[sflag:s15] =	ssyncadd.s32 $0xFFFFF000  }
0x33: {  	_ =	swait.ge [sflag:s15], $0x900  }
0x34: {  	[sflag:s15] =	ssyncset.done $0x0  }
0x35: {  	s31 =	simm.s32 $0x0;
	[sflag:s15] =	ssyncadd.s32 $0xFFFFF700  }
0x36: {  	v1 =	vld [tilespmem:s31+$0x7D10]  }
0x37: {  	v0 =	vimm.f32 $0.0e+00;
	v2 =	vimm.f32 $0.0e+00;
	s20 =	simm.s32 $0x80;
	v3 =	vld [tilespmem:s31+$0x7D00]  }
.LBB2_5:
0x38: {  	p0 =	sne.s32 s20, $0x6380  }
.Ltmp1:
0x39: {  	_ = 	snop;
	(pc) =	sbr.rel @p0 .LBB2_5-.Ltmp1, $4  }
0x3a: {  	_ = 	snop  }
0x3b: {  	s21 =	sshra.s32 s20, $0x2;
	s20 =	sadd.s32 $0x80, s20;
	v0 =	vadd.f32 v1, v0  }
0x3c: {  	v1 =	vld [tilespmem:s21+$0x7D10];
	v2 =	vadd.f32 v3, v2  }
0x3d: {  	v3 =	vld [tilespmem:s21+$0x7D00]  }
0x3e: {  	s18 =	sadd.s32 $0x1, s18  }
0x3f: {  	p0 =	sne.s32 s18, $0x40  }
.Ltmp2:
0x40: {  	_ = 	snop;
	(pc) =	sbr.rel @p0 .LBB2_2-.Ltmp2, $4  }
0x41: {  	s19 =	sshll.u32 s19, $0x5;
	v0 =	vadd.f32 v1, v0  }
0x42: {  	s19 =	sand.u32 $0x3FFFFFE0, s19;
	v2 =	vadd.f32 v3, v2  }
0x43: {  	[tilespmem:s19+$0x9610] =	vst v0  }
0x44: {  	[tilespmem:s19+$0x9600] =	vst v2  }
0x45: {  	s17 =	sadd.s32 $0x1, s17  }
0x46: {  	p0 =	sne.s32 s17, s6  }
.Ltmp3:
0x47: {  	_ = 	snop;
	(pc) =	sbr.rel @p0 .LBB2_1-.Ltmp3, $4  }
0x48: {  	[hbm4b:s5+s2] =	stream.linear.scatter [tilespmem:s16], [sflag:$0x3], $0x1000, $0x38;
	[tilespmem:$0xA600] =	vst v63  }
0x49: {  	_ =	swait.ge [sflag:s7], $0x1000  }
0x4a: {  	[sflag:s7] =	ssyncset.done $0x0  }
0x4b: {  	[sflag:s7] =	ssyncadd.s32 $0xFFFFF000  }
0x4c: {  	_ =	sfence.sel $0x180000  }
0x4d: {  	[bflag:$0x0] =	sbarrier.arrive $0xFFFF  }
0x4e: {  	p0 =	sne.s32 s0, $0x0;
	_ =	strace $0x90000047  }
0x4f: {  	s0 =	sadd.s32 @!p0 $0x100000, s1;
	[bflag:$0x2] =	sbarrier.arrive $0xFFFF  }
0x50: {  	[sflag:s0] =	ssyncadd.tile.s32 @!p0 $0x1;
	_ =	shalt  }
.Lfunc_end2:
_tile_overlayer_lowered:
.L_overlay_start_2:
0x51: {  	(tag) =	ssettag $0x2  }
0x52: {  	s0 =	rddreg [dreg:$0x0];
	s2 =	stileid.u32  }
0x53: {  	s1 =	rddreg [dreg:$0x1];
	p0 =	sne.s32 s2, $0x0  }
0x54: {  	s3 =	rddreg [dreg:$0x2];
	[bflag:$0x3] =	sbarrier.arrive $0xFFFF;
	s2 =	simm.s32 @!p0 $0x1C03  }
0x55: {  	[timem:s3], [sflag:s2] =	dma.local @!p0 [hbm:s0], s1  }
0x56: {  	s0 =	simm.s32 @!p0 $0x3  }
0x57: {  	_ =	swait.ge @!p0 [sflag:s0], s1  }
0x58: {  	s1 =	ssub.s32 @!p0 $0x0, s1;
	[sflag:s0] =	ssyncset.done @!p0 $0x0  }
0x59: {  	[sflag:s0] =	ssyncadd.s32 @!p0 s1  }
0x5a: {  	[bflag:$0x3] =	sbarrier.arrive $0xFFFF  }
0x5b: {  	_ =	shalt  }

</sc_bundles>
